<compile_context>
chip_gen: v7x
topology: tpu7x:2x2x1
jax: 0.10.2.dev20260603
libtpu: 0.0.44.dev20260713+nightly
codegen_flags: <defaults>
</compile_context>

<pallas_src>
import functools

import jax
import jax.numpy as jnp
from jax import lax
from jax.experimental import pallas as pl
from jax.experimental.pallas import tpu as pltpu
from jax.experimental.pallas import tpu_sc as plsc

_LBLK = 16384
_HBLK = _LBLK // 2


def _to_bf16_bits(x_f32):
    u = lax.bitcast_convert_type(x_f32, jnp.int32)
    return lax.shift_right_logical(u + jnp.int32(0x8000), 16)


def _pack_body(au_ref, ai_ref, eye_ref, out_ref):
    dn = (((0,), (0,)), ((), ()))
    at_u = lax.dot_general(
        au_ref[...], eye_ref[...], dn, preferred_element_type=jnp.float32)
    at_i = lax.dot_general(
        ai_ref[...], eye_ref[...], dn, preferred_element_type=jnp.float32)
    word = lax.shift_left(_to_bf16_bits(at_u), 16) | _to_bf16_bits(at_i)
    out_ref[...] = jnp.concatenate(
        [word[:_HBLK], word[_HBLK:]], axis=1)


def _pack_pair(utab_t, itab_t, eye):
    embed, n = utab_t.shape
    grid = ((n + _LBLK - 1) // _LBLK,)
    n_out = grid[0] * _HBLK
    return pl.pallas_call(
        _pack_body,
        grid=grid,
        in_specs=[
            pl.BlockSpec((embed, _LBLK), lambda g: (0, g)),
            pl.BlockSpec((embed, _LBLK), lambda g: (0, g)),
            pl.BlockSpec((embed, embed), lambda g: (0, 0)),
        ],
        out_specs=pl.BlockSpec((_HBLK, 2 * embed), lambda g: (g, 0)),
        out_shape=jax.ShapeDtypeStruct((n_out, 2 * embed), jnp.int32),
    )(utab_t, itab_t, eye)


def _sc_gather(ku, ki, packed):
    info = plsc.get_sparse_core_info()
    nw = info.num_cores * info.num_subcores
    batch = ku.shape[0]
    width = packed.shape[1]
    b_per_w = batch // nw
    half = b_per_w // 2

    mesh = plsc.VectorSubcoreMesh(core_axis_name="c", subcore_axis_name="s")
    out_struct = jax.ShapeDtypeStruct((batch, width), jnp.int32)

    @functools.partial(
        pl.kernel,
        mesh=mesh,
        compiler_params=pltpu.CompilerParams(needs_layout_passes=False),
        out_type=[out_struct, out_struct],
        scratch_types=[
            pltpu.VMEM((b_per_w,), jnp.int32),
            pltpu.VMEM((b_per_w,), jnp.int32),
            pltpu.VMEM((half, 128), jnp.int32),
            pltpu.VMEM((half, 128), jnp.int32),
            pltpu.SemaphoreType.DMA,
            pltpu.SemaphoreType.DMA,
            pltpu.SemaphoreType.DMA,
            pltpu.SemaphoreType.DMA,
        ],
    )
    def gather_kernel(ku_hbm, ki_hbm, tab_hbm,
                      outu_hbm, outi_hbm,
                      idx_u, idx_i, buf_u, buf_i,
                      sem_u, sem_i, sem_wu, sem_wi):
        wid = lax.axis_index("s") * info.num_cores + lax.axis_index("c")
        base = wid * b_per_w
        pltpu.sync_copy(ku_hbm.at[pl.ds(base, b_per_w)], idx_u)
        pltpu.sync_copy(ki_hbm.at[pl.ds(base, b_per_w)], idx_i)

        for h in range(2):
            osl = pl.ds(base + h * half, half)
            isl = pl.ds(h * half, half)
            gu = pltpu.async_copy(
                tab_hbm.at[idx_u.at[isl]], buf_u, sem_u)
            gi = pltpu.async_copy(
                tab_hbm.at[idx_i.at[isl]], buf_i, sem_i)
            gu.wait()
            wu = pltpu.async_copy(buf_u, outu_hbm.at[osl], sem_wu)
            gi.wait()
            wi = pltpu.async_copy(buf_i, outi_hbm.at[osl], sem_wi)
            wu.wait()
            wi.wait()

    return gather_kernel(ku, ki, packed)


def _mlp_body(xu_ref, xi_ref, mu_ref, mi_ref, w1u_ref, w1i_ref, b1_ref,
              w2_ref, b2_ref, out_ref):
    embed = w1u_ref.shape[1]
    wu = jnp.where(mu_ref[...] == 1, xu_ref[:, embed:], xu_ref[:, :embed])
    wi = jnp.where(mi_ref[...] == 1, xi_ref[:, embed:], xi_ref[:, :embed])
    xu = lax.bitcast_convert_type(wu & jnp.int32(-65536), jnp.float32)
    xi = lax.bitcast_convert_type(lax.shift_left(wi, 16), jnp.float32)
    dn = (((1,), (1,)), ((), ()))
    h = lax.dot_general(xu, w1u_ref[...], dn,
                        preferred_element_type=jnp.float32)
    h += lax.dot_general(xi, w1i_ref[...], dn,
                         preferred_element_type=jnp.float32)
    h = jnp.maximum(h + b1_ref[...], 0.0)
    out = jnp.sum(h * w2_ref[...], axis=1, keepdims=True)
    out_ref[...] = out + b2_ref[0, 0]


def _tc_mlp(xu2, xi2, mu, mi, W1, b1, W2, b2):
    batch, width = xu2.shape
    embed = width // 2
    hidden = W1.shape[0]
    w1u = W1[:, :embed]
    w1i = W1[:, embed:]
    b1r = b1.reshape(1, hidden)
    b2r = b2.reshape(1, 1)
    blk = 4096
    grid = (batch // blk,)
    return pl.pallas_call(
        _mlp_body,
        grid=grid,
        in_specs=[
            pl.BlockSpec((blk, width), lambda i: (i, 0)),
            pl.BlockSpec((blk, width), lambda i: (i, 0)),
            pl.BlockSpec((blk, embed), lambda i: (i, 0)),
            pl.BlockSpec((blk, embed), lambda i: (i, 0)),
            pl.BlockSpec((hidden, embed), lambda i: (0, 0)),
            pl.BlockSpec((hidden, embed), lambda i: (0, 0)),
            pl.BlockSpec((1, hidden), lambda i: (0, 0)),
            pl.BlockSpec((1, hidden), lambda i: (0, 0)),
            pl.BlockSpec((1, 1), lambda i: (0, 0)),
        ],
        out_specs=pl.BlockSpec((blk, 1), lambda i: (i, 0)),
        out_shape=jax.ShapeDtypeStruct((batch, 1), jnp.float32),
    )(xu2, xi2, mu, mi, w1u, w1i, b1r, W2, b2r)


def _fold_idx(i):
    return (i // _LBLK) * _HBLK + (i % _HBLK)


@jax.jit
def kernel(users, items, user_table, item_table, W1, b1, W2, b2):
    batch = users.shape[0]
    embed = user_table.shape[1]
    eye = jnp.eye(embed, dtype=jnp.float32)
    packed = _pack_pair(user_table.T, item_table.T, eye)
    ku = _fold_idx(users)
    ki = _fold_idx(items)
    mu = jnp.broadcast_to(
        ((users % _LBLK) // _HBLK).astype(jnp.int32)[:, None], (batch, embed))
    mi = jnp.broadcast_to(
        ((items % _LBLK) // _HBLK).astype(jnp.int32)[:, None], (batch, embed))
    xu2, xi2 = _sc_gather(ku, ki, packed)
    return _tc_mlp(xu2, xi2, mu, mi, W1, b1, W2, b2)

# --- scband reference (transcript-rebuilt; emitter-appended) ---
"""Pipeline reference for scband-rec-sys-model-47639777247320 (READ-ONLY COPY).

The authoritative reference and input builder live on the scoring server;
editing this copy changes nothing except your own understanding.
"""

import jax, jax.numpy as jnp
import numpy as np

N_USERS = 1000000
N_ITEMS = 1000000
EMBED = 64
HIDDEN = 128
BATCH = 16384


def setup_inputs(seed: int = 0) -> dict:
    key = jax.random.key(seed)
    k1, k2, k3, k4, k5, k6, k7, k8 = jax.random.split(key, 8)
    users = jax.random.randint(k1, (BATCH,), 0, N_USERS, dtype=jnp.int64 if jax.config.jax_enable_x64 else jnp.int32)
    items = jax.random.randint(k2, (BATCH,), 0, N_ITEMS, dtype=jnp.int64 if jax.config.jax_enable_x64 else jnp.int32)
    user_table = jax.random.normal(k3, (N_USERS, EMBED), dtype=jnp.float32) * 0.05
    item_table = jax.random.normal(k4, (N_ITEMS, EMBED), dtype=jnp.float32) * 0.05
    W1 = jax.random.normal(k5, (HIDDEN, 2 * EMBED), dtype=jnp.float32) * (1.0 / np.sqrt(2 * EMBED))
    b1 = jax.random.normal(k6, (HIDDEN,), dtype=jnp.float32) * 0.01
    W2 = jax.random.normal(k7, (1, HIDDEN), dtype=jnp.float32) * (1.0 / np.sqrt(HIDDEN))
    b2 = jax.random.normal(k8, (1,), dtype=jnp.float32) * 0.01
    return {"users": users, "items": items, "user_table": user_table, "item_table": item_table, "W1": W1, "b1": b1, "W2": W2, "b2": b2}


def reference(users, items, user_table, item_table, W1, b1, W2, b2):
    # Embedding lookups (gather -> SparseCore friendly)
    user_embeds = jnp.take(user_table, users, axis=0)  # [B, E]
    item_embeds = jnp.take(item_table, items, axis=0)  # [B, E]
    x = jnp.concatenate([user_embeds, item_embeds], axis=1)  # [B, 2E]
    # fc1 + relu (dropout is identity in eval mode)
    h = jnp.maximum(x @ W1.T + b1, 0.0)
    out = h @ W2.T + b2  # [B, 1]
    return out

if __name__ == "__main__":
    import jax
    _d = setup_inputs()
    print(jax.jit(kernel)(*tuple(_d.values())))

</pallas_src>

<mosaic_0001>
#map = affine_map<(d0, d1) -> (0)>
#map1 = affine_map<(d0, d1) -> (0, 0)>
module attributes {stable_mosaic.version = 14 : i64} {
  func.func @gather_kernel(%arg0: i32, %arg1: i32, %arg2: memref<16384xi32, #tpu.memory_space<hbm>>, %arg3: memref<16384xi32, #tpu.memory_space<hbm>>, %arg4: memref<507904x128xi32, #tpu.memory_space<hbm>>, %arg5: memref<16384x128xi32, #tpu.memory_space<hbm>>, %arg6: memref<16384x128xi32, #tpu.memory_space<hbm>>, %arg7: memref<512xi32, #tpu.memory_space<vmem>>, %arg8: memref<512xi32, #tpu.memory_space<vmem>>, %arg9: memref<256x128xi32, #tpu.memory_space<vmem>>, %arg10: memref<256x128xi32, #tpu.memory_space<vmem>>, %arg11: memref<!tpu.dma_semaphore, #tpu.memory_space<semaphore_mem>>, %arg12: memref<!tpu.dma_semaphore, #tpu.memory_space<semaphore_mem>>, %arg13: memref<!tpu.dma_semaphore, #tpu.memory_space<semaphore_mem>>, %arg14: memref<!tpu.dma_semaphore, #tpu.memory_space<semaphore_mem>>) attributes {dimension_semantics = [#tpu.dimension_semantics<core_parallel>, #tpu.dimension_semantics<subcore_parallel>], iteration_bounds = array<i64: 2, 16>, scalar_prefetch = 0 : i64, scratch_operands = 8 : i64, tpu.core_type = #tpu.core_type<sc_vector_subcore>, window_params = [{transform_indices = #map}, {transform_indices = #map}, {transform_indices = #map1}, {transform_indices = #map1}, {transform_indices = #map1}]} {
    %mul3A = arith.constant 2 : i32
    %mul3A_0 = arith.muli %arg1, %mul3A : i32
    %add3A = arith.addi %mul3A_0, %arg0 : i32
    %mul3A_1 = arith.constant 512 : i32
    %mul3A_2 = arith.muli %add3A, %mul3A_1 : i32
    "tpu.region"() ({
      %run_scoped3A = tpu.sem_alloc : memref<!tpu.dma_semaphore, #tpu.memory_space<semaphore_mem>>
      %dma_start3A_77 = tpu.memref_slice %arg2[%mul3A_2] : memref<16384xi32, #tpu.memory_space<hbm>> -> memref<512xi32, #tpu.memory_space<hbm>>
      %dma_start3A_78 = tpu.memref_slice %arg2[%mul3A_2] : memref<16384xi32, #tpu.memory_space<hbm>> -> memref<512xi32, #tpu.memory_space<hbm>>
      tpu.enqueue_dma source(%dma_start3A_78 : memref<512xi32, #tpu.memory_space<hbm>>) target(%arg7 : memref<512xi32, #tpu.memory_space<vmem>>) target_semaphore(%run_scoped3A : memref<!tpu.dma_semaphore, #tpu.memory_space<semaphore_mem>>)
      %dma_wait3A_79 = tpu.memref_slice %arg2[%mul3A_2] : memref<16384xi32, #tpu.memory_space<hbm>> -> memref<512xi32, #tpu.memory_space<hbm>>
      %dma_wait3A_80 = tpu.memref_slice %arg2[%mul3A_2] : memref<16384xi32, #tpu.memory_space<hbm>> -> memref<512xi32, #tpu.memory_space<hbm>>
      tpu.wait_dma2 semaphore(%run_scoped3A : memref<!tpu.dma_semaphore, #tpu.memory_space<semaphore_mem>>) src(%dma_wait3A_80 : memref<512xi32, #tpu.memory_space<hbm>>) dst(%arg7 : memref<512xi32, #tpu.memory_space<vmem>>)
      tpu.yield
    }) : () -> ()
    "tpu.region"() ({
      %run_scoped3A = tpu.sem_alloc : memref<!tpu.dma_semaphore, #tpu.memory_space<semaphore_mem>>
      %dma_start3A_77 = tpu.memref_slice %arg3[%mul3A_2] : memref<16384xi32, #tpu.memory_space<hbm>> -> memref<512xi32, #tpu.memory_space<hbm>>
      %dma_start3A_78 = tpu.memref_slice %arg3[%mul3A_2] : memref<16384xi32, #tpu.memory_space<hbm>> -> memref<512xi32, #tpu.memory_space<hbm>>
      tpu.enqueue_dma source(%dma_start3A_78 : memref<512xi32, #tpu.memory_space<hbm>>) target(%arg8 : memref<512xi32, #tpu.memory_space<vmem>>) target_semaphore(%run_scoped3A : memref<!tpu.dma_semaphore, #tpu.memory_space<semaphore_mem>>)
      %dma_wait3A_79 = tpu.memref_slice %arg3[%mul3A_2] : memref<16384xi32, #tpu.memory_space<hbm>> -> memref<512xi32, #tpu.memory_space<hbm>>
      %dma_wait3A_80 = tpu.memref_slice %arg3[%mul3A_2] : memref<16384xi32, #tpu.memory_space<hbm>> -> memref<512xi32, #tpu.memory_space<hbm>>
      tpu.wait_dma2 semaphore(%run_scoped3A : memref<!tpu.dma_semaphore, #tpu.memory_space<semaphore_mem>>) src(%dma_wait3A_80 : memref<512xi32, #tpu.memory_space<hbm>>) dst(%arg8 : memref<512xi32, #tpu.memory_space<vmem>>)
      tpu.yield
    }) : () -> ()
    %add3A_3 = arith.constant 0 : i32
    %add3A_4 = arith.addi %mul3A_2, %add3A_3 : i32
    %dma_start3A = arith.constant 0 : i32
    %dma_start3A_5 = tpu.memref_slice %arg7[%dma_start3A] : memref<512xi32, #tpu.memory_space<vmem>> -> memref<256xi32, #tpu.memory_space<vmem>>
    %dma_start3A_6 = arith.constant 0 : i32
    %dma_start3A_7 = arith.constant 0 : i32
    %dma_start3A_8 = tpu.memref_slice %arg4[%dma_start3A_6, %dma_start3A_7] : memref<507904x128xi32, #tpu.memory_space<hbm>> -> memref<507904x128xi32, #tpu.memory_space<hbm>>
    tpu.enqueue_indirect_dma source(%dma_start3A_8 : memref<507904x128xi32, #tpu.memory_space<hbm>>) target(%arg9 : memref<256x128xi32, #tpu.memory_space<vmem>>) offsets(%dma_start3A_5 : memref<256xi32, #tpu.memory_space<vmem>>) semaphore(%arg11 : memref<!tpu.dma_semaphore, #tpu.memory_space<semaphore_mem>>)
    %dma_start3A_9 = arith.constant 0 : i32
    %dma_start3A_10 = tpu.memref_slice %arg8[%dma_start3A_9] : memref<512xi32, #tpu.memory_space<vmem>> -> memref<256xi32, #tpu.memory_space<vmem>>
    %dma_start3A_11 = arith.constant 0 : i32
    %dma_start3A_12 = arith.constant 0 : i32
    %dma_start3A_13 = tpu.memref_slice %arg4[%dma_start3A_11, %dma_start3A_12] : memref<507904x128xi32, #tpu.memory_space<hbm>> -> memref<507904x128xi32, #tpu.memory_space<hbm>>
    tpu.enqueue_indirect_dma source(%dma_start3A_13 : memref<507904x128xi32, #tpu.memory_space<hbm>>) target(%arg10 : memref<256x128xi32, #tpu.memory_space<vmem>>) offsets(%dma_start3A_10 : memref<256xi32, #tpu.memory_space<vmem>>) semaphore(%arg12 : memref<!tpu.dma_semaphore, #tpu.memory_space<semaphore_mem>>)
    %dma_wait3A = arith.constant 0 : i32
    %dma_wait3A_14 = tpu.memref_slice %arg7[%dma_wait3A] : memref<512xi32, #tpu.memory_space<vmem>> -> memref<256xi32, #tpu.memory_space<vmem>>
    %dma_wait3A_15 = arith.constant 0 : i32
    %dma_wait3A_16 = arith.constant 0 : i32
    %dma_wait3A_17 = tpu.memref_slice %arg4[%dma_wait3A_15, %dma_wait3A_16] : memref<507904x128xi32, #tpu.memory_space<hbm>> -> memref<507904x128xi32, #tpu.memory_space<hbm>>
    tpu.wait_indirect_dma semaphore(%arg11 : memref<!tpu.dma_semaphore, #tpu.memory_space<semaphore_mem>>) src(%dma_wait3A_17 : memref<507904x128xi32, #tpu.memory_space<hbm>>) dst(%arg9 : memref<256x128xi32, #tpu.memory_space<vmem>>)
    %dma_start3A_18 = arith.constant 0 : i32
    %dma_start3A_19 = tpu.memref_slice %arg5[%add3A_4, %dma_start3A_18] : memref<16384x128xi32, #tpu.memory_space<hbm>> -> memref<256x128xi32, #tpu.memory_space<hbm>>
    %dma_start3A_20 = arith.constant 0 : i32
    %dma_start3A_21 = tpu.memref_slice %arg5[%add3A_4, %dma_start3A_20] : memref<16384x128xi32, #tpu.memory_space<hbm>> -> memref<256x128xi32, #tpu.memory_space<hbm>>
    tpu.enqueue_dma source(%arg9 : memref<256x128xi32, #tpu.memory_space<vmem>>) target(%dma_start3A_21 : memref<256x128xi32, #tpu.memory_space<hbm>>) target_semaphore(%arg13 : memref<!tpu.dma_semaphore, #tpu.memory_space<semaphore_mem>>)
    %dma_wait3A_22 = arith.constant 0 : i32
    %dma_wait3A_23 = tpu.memref_slice %arg8[%dma_wait3A_22] : memref<512xi32, #tpu.memory_space<vmem>> -> memref<256xi32, #tpu.memory_space<vmem>>
    %dma_wait3A_24 = arith.constant 0 : i32
    %dma_wait3A_25 = arith.constant 0 : i32
    %dma_wait3A_26 = tpu.memref_slice %arg4[%dma_wait3A_24, %dma_wait3A_25] : memref<507904x128xi32, #tpu.memory_space<hbm>> -> memref<507904x128xi32, #tpu.memory_space<hbm>>
    tpu.wait_indirect_dma semaphore(%arg12 : memref<!tpu.dma_semaphore, #tpu.memory_space<semaphore_mem>>) src(%dma_wait3A_26 : memref<507904x128xi32, #tpu.memory_space<hbm>>) dst(%arg10 : memref<256x128xi32, #tpu.memory_space<vmem>>)
    %dma_start3A_27 = arith.constant 0 : i32
    %dma_start3A_28 = tpu.memref_slice %arg6[%add3A_4, %dma_start3A_27] : memref<16384x128xi32, #tpu.memory_space<hbm>> -> memref<256x128xi32, #tpu.memory_space<hbm>>
    %dma_start3A_29 = arith.constant 0 : i32
    %dma_start3A_30 = tpu.memref_slice %arg6[%add3A_4, %dma_start3A_29] : memref<16384x128xi32, #tpu.memory_space<hbm>> -> memref<256x128xi32, #tpu.memory_space<hbm>>
    tpu.enqueue_dma source(%arg10 : memref<256x128xi32, #tpu.memory_space<vmem>>) target(%dma_start3A_30 : memref<256x128xi32, #tpu.memory_space<hbm>>) target_semaphore(%arg14 : memref<!tpu.dma_semaphore, #tpu.memory_space<semaphore_mem>>)
    %dma_wait3A_31 = arith.constant 0 : i32
    %dma_wait3A_32 = tpu.memref_slice %arg5[%add3A_4, %dma_wait3A_31] : memref<16384x128xi32, #tpu.memory_space<hbm>> -> memref<256x128xi32, #tpu.memory_space<hbm>>
    %dma_wait3A_33 = arith.constant 0 : i32
    %dma_wait3A_34 = tpu.memref_slice %arg5[%add3A_4, %dma_wait3A_33] : memref<16384x128xi32, #tpu.memory_space<hbm>> -> memref<256x128xi32, #tpu.memory_space<hbm>>
    tpu.wait_dma2 semaphore(%arg13 : memref<!tpu.dma_semaphore, #tpu.memory_space<semaphore_mem>>) src(%arg9 : memref<256x128xi32, #tpu.memory_space<vmem>>) dst(%dma_wait3A_34 : memref<256x128xi32, #tpu.memory_space<hbm>>)
    %dma_wait3A_35 = arith.constant 0 : i32
    %dma_wait3A_36 = tpu.memref_slice %arg6[%add3A_4, %dma_wait3A_35] : memref<16384x128xi32, #tpu.memory_space<hbm>> -> memref<256x128xi32, #tpu.memory_space<hbm>>
    %dma_wait3A_37 = arith.constant 0 : i32
    %dma_wait3A_38 = tpu.memref_slice %arg6[%add3A_4, %dma_wait3A_37] : memref<16384x128xi32, #tpu.memory_space<hbm>> -> memref<256x128xi32, #tpu.memory_space<hbm>>
    tpu.wait_dma2 semaphore(%arg14 : memref<!tpu.dma_semaphore, #tpu.memory_space<semaphore_mem>>) src(%arg10 : memref<256x128xi32, #tpu.memory_space<vmem>>) dst(%dma_wait3A_38 : memref<256x128xi32, #tpu.memory_space<hbm>>)
    %add3A_39 = arith.constant 256 : i32
    %add3A_40 = arith.addi %mul3A_2, %add3A_39 : i32
    %dma_start3A_41 = arith.constant 256 : i32
    %dma_start3A_42 = tpu.memref_slice %arg7[%dma_start3A_41] : memref<512xi32, #tpu.memory_space<vmem>> -> memref<256xi32, #tpu.memory_space<vmem>>
    %dma_start3A_43 = arith.constant 0 : i32
    %dma_start3A_44 = arith.constant 0 : i32
    %dma_start3A_45 = tpu.memref_slice %arg4[%dma_start3A_43, %dma_start3A_44] : memref<507904x128xi32, #tpu.memory_space<hbm>> -> memref<507904x128xi32, #tpu.memory_space<hbm>>
    tpu.enqueue_indirect_dma source(%dma_start3A_45 : memref<507904x128xi32, #tpu.memory_space<hbm>>) target(%arg9 : memref<256x128xi32, #tpu.memory_space<vmem>>) offsets(%dma_start3A_42 : memref<256xi32, #tpu.memory_space<vmem>>) semaphore(%arg11 : memref<!tpu.dma_semaphore, #tpu.memory_space<semaphore_mem>>)
    %dma_start3A_46 = arith.constant 256 : i32
    %dma_start3A_47 = tpu.memref_slice %arg8[%dma_start3A_46] : memref<512xi32, #tpu.memory_space<vmem>> -> memref<256xi32, #tpu.memory_space<vmem>>
    %dma_start3A_48 = arith.constant 0 : i32
    %dma_start3A_49 = arith.constant 0 : i32
    %dma_start3A_50 = tpu.memref_slice %arg4[%dma_start3A_48, %dma_start3A_49] : memref<507904x128xi32, #tpu.memory_space<hbm>> -> memref<507904x128xi32, #tpu.memory_space<hbm>>
    tpu.enqueue_indirect_dma source(%dma_start3A_50 : memref<507904x128xi32, #tpu.memory_space<hbm>>) target(%arg10 : memref<256x128xi32, #tpu.memory_space<vmem>>) offsets(%dma_start3A_47 : memref<256xi32, #tpu.memory_space<vmem>>) semaphore(%arg12 : memref<!tpu.dma_semaphore, #tpu.memory_space<semaphore_mem>>)
    %dma_wait3A_51 = arith.constant 256 : i32
    %dma_wait3A_52 = tpu.memref_slice %arg7[%dma_wait3A_51] : memref<512xi32, #tpu.memory_space<vmem>> -> memref<256xi32, #tpu.memory_space<vmem>>
    %dma_wait3A_53 = arith.constant 0 : i32
    %dma_wait3A_54 = arith.constant 0 : i32
    %dma_wait3A_55 = tpu.memref_slice %arg4[%dma_wait3A_53, %dma_wait3A_54] : memref<507904x128xi32, #tpu.memory_space<hbm>> -> memref<507904x128xi32, #tpu.memory_space<hbm>>
    tpu.wait_indirect_dma semaphore(%arg11 : memref<!tpu.dma_semaphore, #tpu.memory_space<semaphore_mem>>) src(%dma_wait3A_55 : memref<507904x128xi32, #tpu.memory_space<hbm>>) dst(%arg9 : memref<256x128xi32, #tpu.memory_space<vmem>>)
    %dma_start3A_56 = arith.constant 0 : i32
    %dma_start3A_57 = tpu.memref_slice %arg5[%add3A_40, %dma_start3A_56] : memref<16384x128xi32, #tpu.memory_space<hbm>> -> memref<256x128xi32, #tpu.memory_space<hbm>>
    %dma_start3A_58 = arith.constant 0 : i32
    %dma_start3A_59 = tpu.memref_slice %arg5[%add3A_40, %dma_start3A_58] : memref<16384x128xi32, #tpu.memory_space<hbm>> -> memref<256x128xi32, #tpu.memory_space<hbm>>
    tpu.enqueue_dma source(%arg9 : memref<256x128xi32, #tpu.memory_space<vmem>>) target(%dma_start3A_59 : memref<256x128xi32, #tpu.memory_space<hbm>>) target_semaphore(%arg13 : memref<!tpu.dma_semaphore, #tpu.memory_space<semaphore_mem>>)
    %dma_wait3A_60 = arith.constant 256 : i32
    %dma_wait3A_61 = tpu.memref_slice %arg8[%dma_wait3A_60] : memref<512xi32, #tpu.memory_space<vmem>> -> memref<256xi32, #tpu.memory_space<vmem>>
    %dma_wait3A_62 = arith.constant 0 : i32
    %dma_wait3A_63 = arith.constant 0 : i32
    %dma_wait3A_64 = tpu.memref_slice %arg4[%dma_wait3A_62, %dma_wait3A_63] : memref<507904x128xi32, #tpu.memory_space<hbm>> -> memref<507904x128xi32, #tpu.memory_space<hbm>>
    tpu.wait_indirect_dma semaphore(%arg12 : memref<!tpu.dma_semaphore, #tpu.memory_space<semaphore_mem>>) src(%dma_wait3A_64 : memref<507904x128xi32, #tpu.memory_space<hbm>>) dst(%arg10 : memref<256x128xi32, #tpu.memory_space<vmem>>)
    %dma_start3A_65 = arith.constant 0 : i32
    %dma_start3A_66 = tpu.memref_slice %arg6[%add3A_40, %dma_start3A_65] : memref<16384x128xi32, #tpu.memory_space<hbm>> -> memref<256x128xi32, #tpu.memory_space<hbm>>
    %dma_start3A_67 = arith.constant 0 : i32
    %dma_start3A_68 = tpu.memref_slice %arg6[%add3A_40, %dma_start3A_67] : memref<16384x128xi32, #tpu.memory_space<hbm>> -> memref<256x128xi32, #tpu.memory_space<hbm>>
    tpu.enqueue_dma source(%arg10 : memref<256x128xi32, #tpu.memory_space<vmem>>) target(%dma_start3A_68 : memref<256x128xi32, #tpu.memory_space<hbm>>) target_semaphore(%arg14 : memref<!tpu.dma_semaphore, #tpu.memory_space<semaphore_mem>>)
    %dma_wait3A_69 = arith.constant 0 : i32
    %dma_wait3A_70 = tpu.memref_slice %arg5[%add3A_40, %dma_wait3A_69] : memref<16384x128xi32, #tpu.memory_space<hbm>> -> memref<256x128xi32, #tpu.memory_space<hbm>>
    %dma_wait3A_71 = arith.constant 0 : i32
    %dma_wait3A_72 = tpu.memref_slice %arg5[%add3A_40, %dma_wait3A_71] : memref<16384x128xi32, #tpu.memory_space<hbm>> -> memref<256x128xi32, #tpu.memory_space<hbm>>
    tpu.wait_dma2 semaphore(%arg13 : memref<!tpu.dma_semaphore, #tpu.memory_space<semaphore_mem>>) src(%arg9 : memref<256x128xi32, #tpu.memory_space<vmem>>) dst(%dma_wait3A_72 : memref<256x128xi32, #tpu.memory_space<hbm>>)
    %dma_wait3A_73 = arith.constant 0 : i32
    %dma_wait3A_74 = tpu.memref_slice %arg6[%add3A_40, %dma_wait3A_73] : memref<16384x128xi32, #tpu.memory_space<hbm>> -> memref<256x128xi32, #tpu.memory_space<hbm>>
    %dma_wait3A_75 = arith.constant 0 : i32
    %dma_wait3A_76 = tpu.memref_slice %arg6[%add3A_40, %dma_wait3A_75] : memref<16384x128xi32, #tpu.memory_space<hbm>> -> memref<256x128xi32, #tpu.memory_space<hbm>>
    tpu.wait_dma2 semaphore(%arg14 : memref<!tpu.dma_semaphore, #tpu.memory_space<semaphore_mem>>) src(%arg10 : memref<256x128xi32, #tpu.memory_space<vmem>>) dst(%dma_wait3A_76 : memref<256x128xi32, #tpu.memory_space<hbm>>)
    return
  }
}

module attributes {stable_mosaic.version = 14 : i64} {
  func.func @_pack_body(%arg0: i32, %arg1: memref<64x16384xf32, #tpu.memory_space<vmem>>, %arg2: memref<64x16384xf32, #tpu.memory_space<vmem>>, %arg3: memref<64x64xf32, #tpu.memory_space<vmem>>, %arg4: memref<8192x128xi32, #tpu.memory_space<vmem>>) attributes {dimension_semantics = [#tpu.dimension_semantics<arbitrary>], iteration_bounds = array<i64: 62>, scalar_prefetch = 0 : i64, scratch_operands = 0 : i64, tpu.core_type = #tpu.core_type<tc>, window_params = [{transform_indices = @transform_0, window_bounds = array<i64: 64, 16384>}, {transform_indices = @transform_1, window_bounds = array<i64: 64, 16384>}, {pipeline_mode = #tpu.pipeline_mode<synchronous>, transform_indices = @transform_2, window_bounds = array<i64: 64, 64>}, {transform_indices = @transform_3, window_bounds = array<i64: 8192, 128>}]} {
    %get3A = arith.constant 0 : index
    %get3A_0 = arith.constant 0 : index
    %get3A_1 = vector.load %arg1[%get3A, %get3A_0] : memref<64x16384xf32, #tpu.memory_space<vmem>>, vector<64x16384xf32>
    %get3A_2 = arith.constant 0 : index
    %get3A_3 = arith.constant 0 : index
    %get3A_4 = vector.load %arg3[%get3A_2, %get3A_3] : memref<64x64xf32, #tpu.memory_space<vmem>>, vector<64x64xf32>
    %dot_general3A = arith.constant dense<0.000000e+00> : vector<16384x64xf32>
    %dot_general3A_5 = tpu.matmul %get3A_1, %get3A_4, %dot_general3A {dimension_numbers = #tpu.dot_dimension_numbers<[0], [0], [1], [1], [0, 1, 1, 1], [], []>, transpose_lhs_hint = false} : vector<64x16384xf32>, vector<64x64xf32>, vector<16384x64xf32> -> vector<16384x64xf32>
    %get3A_6 = arith.constant 0 : index
    %get3A_7 = arith.constant 0 : index
    %get3A_8 = vector.load %arg2[%get3A_6, %get3A_7] : memref<64x16384xf32, #tpu.memory_space<vmem>>, vector<64x16384xf32>
    %get3A_9 = arith.constant 0 : index
    %get3A_10 = arith.constant 0 : index
    %get3A_11 = vector.load %arg3[%get3A_9, %get3A_10] : memref<64x64xf32, #tpu.memory_space<vmem>>, vector<64x64xf32>
    %dot_general3A_12 = arith.constant dense<0.000000e+00> : vector<16384x64xf32>
    %dot_general3A_13 = tpu.matmul %get3A_8, %get3A_11, %dot_general3A_12 {dimension_numbers = #tpu.dot_dimension_numbers<[0], [0], [1], [1], [0, 1, 1, 1], [], []>, transpose_lhs_hint = false} : vector<64x16384xf32>, vector<64x64xf32>, vector<16384x64xf32> -> vector<16384x64xf32>
    %bitcast_convert_type3A = tpu.bitcast %dot_general3A_5 : vector<16384x64xf32> -> vector<16384x64xi32>
    %add3A = arith.constant 32768 : i32
    %add3A_14 = vector.broadcast %add3A : i32 to vector<16384x64xi32>
    %add3A_15 = arith.addi %bitcast_convert_type3A, %add3A_14 : vector<16384x64xi32>
    %shift_right_logical3A = arith.constant 16 : i32
    %shift_right_logical3A_16 = vector.broadcast %shift_right_logical3A : i32 to vector<16384x64xi32>
    %shift_right_logical3A_17 = arith.shrui %add3A_15, %shift_right_logical3A_16 : vector<16384x64xi32>
    %shift_left3A = arith.constant 16 : i32
    %shift_left3A_18 = vector.broadcast %shift_left3A : i32 to vector<16384x64xi32>
    %shift_left3A_19 = arith.shli %shift_right_logical3A_17, %shift_left3A_18 : vector<16384x64xi32>
    %bitcast_convert_type3A_20 = tpu.bitcast %dot_general3A_13 : vector<16384x64xf32> -> vector<16384x64xi32>
    %add3A_21 = arith.constant 32768 : i32
    %add3A_22 = vector.broadcast %add3A_21 : i32 to vector<16384x64xi32>
    %add3A_23 = arith.addi %bitcast_convert_type3A_20, %add3A_22 : vector<16384x64xi32>
    %shift_right_logical3A_24 = arith.constant 16 : i32
    %shift_right_logical3A_25 = vector.broadcast %shift_right_logical3A_24 : i32 to vector<16384x64xi32>
    %shift_right_logical3A_26 = arith.shrui %add3A_23, %shift_right_logical3A_25 : vector<16384x64xi32>
    %or3A = arith.ori %shift_left3A_19, %shift_right_logical3A_26 : vector<16384x64xi32>
    %slice3A = vector.extract_strided_slice %or3A {offsets = [0, 0], sizes = [8192, 64], strides = [1, 1]} : vector<16384x64xi32> to vector<8192x64xi32>
    %slice3A_27 = vector.extract_strided_slice %or3A {offsets = [8192, 0], sizes = [8192, 64], strides = [1, 1]} : vector<16384x64xi32> to vector<8192x64xi32>
    %concatenate3A = tpu.concatenate %slice3A, %slice3A_27 in 1 : vector<8192x64xi32>, vector<8192x64xi32> -> vector<8192x128xi32>
    %swap3A = arith.constant 0 : index
    %swap3A_28 = arith.constant 0 : index
    %swap3A_29 = vector.load %arg4[%swap3A, %swap3A_28] : memref<8192x128xi32, #tpu.memory_space<vmem>>, vector<8192x128xi32>
    tpu.vector_store %arg4[%swap3A, %swap3A_28], %concatenate3A {strides = array<i32>} : memref<8192x128xi32, #tpu.memory_space<vmem>>, vector<8192x128xi32>,
    return
  }
  func.func @transform_0(%arg0: i32) -> (i32, i32) {
    %c0_i32 = arith.constant 0 : i32
    %c0_i32_0 = arith.constant 0 : i32
    return %c0_i32, %arg0 : i32, i32
  }
  func.func @transform_1(%arg0: i32) -> (i32, i32) {
    %c0_i32 = arith.constant 0 : i32
    %c0_i32_0 = arith.constant 0 : i32
    return %c0_i32, %arg0 : i32, i32
  }
  func.func @transform_2(%arg0: i32) -> (i32, i32) {
    %c0_i32 = arith.constant 0 : i32
    %c0_i32_0 = arith.constant 0 : i32
    %c0_i32_1 = arith.constant 0 : i32
    return %c0_i32, %c0_i32_0 : i32, i32
  }
  func.func @transform_3(%arg0: i32) -> (i32, i32) {
    %c0_i32 = arith.constant 0 : i32
    %c0_i32_0 = arith.constant 0 : i32
    return %arg0, %c0_i32 : i32, i32
  }
}

module attributes {stable_mosaic.version = 14 : i64} {
  func.func @_mlp_body(%arg0: i32, %arg1: memref<4096x128xi32, #tpu.memory_space<vmem>>, %arg2: memref<4096x128xi32, #tpu.memory_space<vmem>>, %arg3: memref<4096x64xi32, #tpu.memory_space<vmem>>, %arg4: memref<4096x64xi32, #tpu.memory_space<vmem>>, %arg5: memref<128x64xf32, #tpu.memory_space<vmem>>, %arg6: memref<128x64xf32, #tpu.memory_space<vmem>>, %arg7: memref<1x128xf32, #tpu.memory_space<vmem>>, %arg8: memref<1x128xf32, #tpu.memory_space<vmem>>, %arg9: memref<1x1xf32, #tpu.memory_space<vmem>>, %arg10: memref<4096x1xf32, #tpu.memory_space<vmem>>) attributes {dimension_semantics = [#tpu.dimension_semantics<arbitrary>], iteration_bounds = array<i64: 4>, scalar_prefetch = 0 : i64, scratch_operands = 0 : i64, tpu.core_type = #tpu.core_type<tc>, window_params = [{transform_indices = @transform_0, window_bounds = array<i64: 4096, 128>}, {transform_indices = @transform_1, window_bounds = array<i64: 4096, 128>}, {transform_indices = @transform_2, window_bounds = array<i64: 4096, 64>}, {transform_indices = @transform_3, window_bounds = array<i64: 4096, 64>}, {pipeline_mode = #tpu.pipeline_mode<synchronous>, transform_indices = @transform_4, window_bounds = array<i64: 128, 64>}, {pipeline_mode = #tpu.pipeline_mode<synchronous>, transform_indices = @transform_5, window_bounds = array<i64: 128, 64>}, {pipeline_mode = #tpu.pipeline_mode<synchronous>, transform_indices = @transform_6, window_bounds = array<i64: 1, 128>}, {pipeline_mode = #tpu.pipeline_mode<synchronous>, transform_indices = @transform_7, window_bounds = array<i64: 1, 128>}, {pipeline_mode = #tpu.pipeline_mode<synchronous>, transform_indices = @transform_8, window_bounds = array<i64: 1, 1>}, {transform_indices = @transform_9, window_bounds = array<i64: 4096, 1>}]} {
    %get3A = arith.constant 0 : index
    %get3A_0 = arith.constant 0 : index
    %get3A_1 = vector.load %arg3[%get3A, %get3A_0] : memref<4096x64xi32, #tpu.memory_space<vmem>>, vector<4096x64xi32>
    %eq3A = arith.constant 1 : i32
    %eq3A_2 = vector.broadcast %eq3A : i32 to vector<4096x64xi32>
    %eq3A_3 = arith.cmpi eq, %get3A_1, %eq3A_2 : vector<4096x64xi32>
    %get3A_4 = arith.constant 0 : index
    %get3A_5 = arith.constant 64 : index
    %get3A_6 = vector.load %arg1[%get3A_4, %get3A_5] : memref<4096x128xi32, #tpu.memory_space<vmem>>, vector<4096x64xi32>
    %get3A_7 = arith.constant 0 : index
    %get3A_8 = arith.constant 0 : index
    %get3A_9 = vector.load %arg1[%get3A_7, %get3A_8] : memref<4096x128xi32, #tpu.memory_space<vmem>>, vector<4096x64xi32>
    %select_n3A = arith.select %eq3A_3, %get3A_6, %get3A_9 : vector<4096x64xi1>, vector<4096x64xi32>
    %get3A_10 = arith.constant 0 : index
    %get3A_11 = arith.constant 0 : index
    %get3A_12 = vector.load %arg4[%get3A_10, %get3A_11] : memref<4096x64xi32, #tpu.memory_space<vmem>>, vector<4096x64xi32>
    %eq3A_13 = arith.constant 1 : i32
    %eq3A_14 = vector.broadcast %eq3A_13 : i32 to vector<4096x64xi32>
    %eq3A_15 = arith.cmpi eq, %get3A_12, %eq3A_14 : vector<4096x64xi32>
    %get3A_16 = arith.constant 0 : index
    %get3A_17 = arith.constant 64 : index
    %get3A_18 = vector.load %arg2[%get3A_16, %get3A_17] : memref<4096x128xi32, #tpu.memory_space<vmem>>, vector<4096x64xi32>
    %get3A_19 = arith.constant 0 : index
    %get3A_20 = arith.constant 0 : index
    %get3A_21 = vector.load %arg2[%get3A_19, %get3A_20] : memref<4096x128xi32, #tpu.memory_space<vmem>>, vector<4096x64xi32>
    %select_n3A_22 = arith.select %eq3A_15, %get3A_18, %get3A_21 : vector<4096x64xi1>, vector<4096x64xi32>
    %and3A = arith.constant -65536 : i32
    %and3A_23 = vector.broadcast %and3A : i32 to vector<4096x64xi32>
    %and3A_24 = arith.andi %select_n3A, %and3A_23 : vector<4096x64xi32>
    %bitcast_convert_type3A = tpu.bitcast %and3A_24 : vector<4096x64xi32> -> vector<4096x64xf32>
    %shift_left3A = arith.constant 16 : i32
    %shift_left3A_25 = vector.broadcast %shift_left3A : i32 to vector<4096x64xi32>
    %shift_left3A_26 = arith.shli %select_n3A_22, %shift_left3A_25 : vector<4096x64xi32>
    %bitcast_convert_type3A_27 = tpu.bitcast %shift_left3A_26 : vector<4096x64xi32> -> vector<4096x64xf32>
    %get3A_28 = arith.constant 0 : index
    %get3A_29 = arith.constant 0 : index
    %get3A_30 = vector.load %arg5[%get3A_28, %get3A_29] : memref<128x64xf32, #tpu.memory_space<vmem>>, vector<128x64xf32>
    %dot_general3A = arith.constant dense<0.000000e+00> : vector<4096x128xf32>
    %dot_general3A_31 = tpu.matmul %bitcast_convert_type3A, %get3A_30, %dot_general3A {dimension_numbers = #tpu.dot_dimension_numbers<[1], [1], [0], [0], [0, 0, 1, 0], [], []>, transpose_lhs_hint = false} : vector<4096x64xf32>, vector<128x64xf32>, vector<4096x128xf32> -> vector<4096x128xf32>
    %get3A_32 = arith.constant 0 : index
    %get3A_33 = arith.constant 0 : index
    %get3A_34 = vector.load %arg6[%get3A_32, %get3A_33] : memref<128x64xf32, #tpu.memory_space<vmem>>, vector<128x64xf32>
    %dot_general3A_35 = arith.constant dense<0.000000e+00> : vector<4096x128xf32>
    %dot_general3A_36 = tpu.matmul %bitcast_convert_type3A_27, %get3A_34, %dot_general3A_35 {dimension_numbers = #tpu.dot_dimension_numbers<[1], [1], [0], [0], [0, 0, 1, 0], [], []>, transpose_lhs_hint = false} : vector<4096x64xf32>, vector<128x64xf32>, vector<4096x128xf32> -> vector<4096x128xf32>
    %add3A = arith.addf %dot_general3A_31, %dot_general3A_36 : vector<4096x128xf32>
    %get3A_37 = arith.constant 0 : index
    %get3A_38 = arith.constant 0 : index
    %get3A_39 = vector.load %arg7[%get3A_37, %get3A_38] : memref<1x128xf32, #tpu.memory_space<vmem>>, vector<1x128xf32>
    %add3A_40 = vector.broadcast %get3A_39 : vector<1x128xf32> to vector<4096x128xf32>
    %add3A_41 = arith.addf %add3A, %add3A_40 : vector<4096x128xf32>
    %max3A = arith.constant 0.000000e+00 : f32
    %max3A_42 = vector.broadcast %max3A : f32 to vector<4096x128xf32>
    %max3A_43 = arith.maximumf %add3A_41, %max3A_42 : vector<4096x128xf32>
    %get3A_44 = arith.constant 0 : index
    %get3A_45 = arith.constant 0 : index
    %get3A_46 = vector.load %arg8[%get3A_44, %get3A_45] : memref<1x128xf32, #tpu.memory_space<vmem>>, vector<1x128xf32>
    %mul3A = vector.broadcast %get3A_46 : vector<1x128xf32> to vector<4096x128xf32>
    %mul3A_47 = arith.mulf %max3A_43, %mul3A : vector<4096x128xf32>
    %reduce_sum3A = arith.constant dense<0.000000e+00> : vector<4096xf32>
    %reduce_sum3A_48 = vector.multi_reduction <add>, %mul3A_47, %reduce_sum3A [1] : vector<4096x128xf32> to vector<4096xf32>
    %broadcast_in_dim3A = vector.shape_cast %reduce_sum3A_48 : vector<4096xf32> to vector<4096x1xf32>
    %get3A_49 = arith.constant 0 : index
    %get3A_50 = arith.constant 0 : index
    %get3A_51 = vector.load %arg9[%get3A_49, %get3A_50] : memref<1x1xf32, #tpu.memory_space<vmem>>, vector<1x1xf32>
    %get3A_52 = vector.extract %get3A_51[0, 0] : f32 from vector<1x1xf32>
    %add3A_53 = vector.broadcast %get3A_52 : f32 to vector<4096x1xf32>
    %add3A_54 = arith.addf %broadcast_in_dim3A, %add3A_53 : vector<4096x1xf32>
    %swap3A = arith.constant 0 : index
    %swap3A_55 = arith.constant 0 : index
    %swap3A_56 = vector.load %arg10[%swap3A, %swap3A_55] : memref<4096x1xf32, #tpu.memory_space<vmem>>, vector<4096x1xf32>
    tpu.vector_store %arg10[%swap3A, %swap3A_55], %add3A_54 {strides = array<i32>} : memref<4096x1xf32, #tpu.memory_space<vmem>>, vector<4096x1xf32>,
    return
  }
  func.func @transform_0(%arg0: i32) -> (i32, i32) {
    %c0_i32 = arith.constant 0 : i32
    %c0_i32_0 = arith.constant 0 : i32
    return %arg0, %c0_i32 : i32, i32
  }
  func.func @transform_1(%arg0: i32) -> (i32, i32) {
    %c0_i32 = arith.constant 0 : i32
    %c0_i32_0 = arith.constant 0 : i32
    return %arg0, %c0_i32 : i32, i32
  }
  func.func @transform_2(%arg0: i32) -> (i32, i32) {
    %c0_i32 = arith.constant 0 : i32
    %c0_i32_0 = arith.constant 0 : i32
    return %arg0, %c0_i32 : i32, i32
  }
  func.func @transform_3(%arg0: i32) -> (i32, i32) {
    %c0_i32 = arith.constant 0 : i32
    %c0_i32_0 = arith.constant 0 : i32
    return %arg0, %c0_i32 : i32, i32
  }
  func.func @transform_4(%arg0: i32) -> (i32, i32) {
    %c0_i32 = arith.constant 0 : i32
    %c0_i32_0 = arith.constant 0 : i32
    %c0_i32_1 = arith.constant 0 : i32
    return %c0_i32, %c0_i32_0 : i32, i32
  }
  func.func @transform_5(%arg0: i32) -> (i32, i32) {
    %c0_i32 = arith.constant 0 : i32
    %c0_i32_0 = arith.constant 0 : i32
    %c0_i32_1 = arith.constant 0 : i32
    return %c0_i32, %c0_i32_0 : i32, i32
  }
  func.func @transform_6(%arg0: i32) -> (i32, i32) {
    %c0_i32 = arith.constant 0 : i32
    %c0_i32_0 = arith.constant 0 : i32
    %c0_i32_1 = arith.constant 0 : i32
    return %c0_i32, %c0_i32_0 : i32, i32
  }
  func.func @transform_7(%arg0: i32) -> (i32, i32) {
    %c0_i32 = arith.constant 0 : i32
    %c0_i32_0 = arith.constant 0 : i32
    %c0_i32_1 = arith.constant 0 : i32
    return %c0_i32, %c0_i32_0 : i32, i32
  }
  func.func @transform_8(%arg0: i32) -> (i32, i32) {
    %c0_i32 = arith.constant 0 : i32
    %c0_i32_0 = arith.constant 0 : i32
    %c0_i32_1 = arith.constant 0 : i32
    return %c0_i32, %c0_i32_0 : i32, i32
  }
  func.func @transform_9(%arg0: i32) -> (i32, i32) {
    %c0_i32 = arith.constant 0 : i32
    %c0_i32_0 = arith.constant 0 : i32
    return %arg0, %c0_i32 : i32, i32
  }
}

</mosaic_0001>

<sc_bundles>
// kernel: kernel.5.cloned.1.call-start
scs
__scs_entry_jumppad:
0x0: {  	(pc) =	sbr.rel $0x88, $3  }
0x1: {  	(tag) =	ssettag $0x0;
	lr =	simm.s32 $0x1  }
0x2: {  	[smem:$0x3F99] =	sst lr;
	_ =	strace $0xD0000000  }
0x3: {  	_ = 	snop  }
0x4: {  	_ = 	snop  }
0x5: {  	_ = 	snop  }
0x6: {  	_ = 	snop  }
0x7: {  	_ = 	snop  }
__scs_overlays_trampoline_lowered:
0x8: {  	[smem:$0x3FA8] =	sst s0  }
0x9: {  	[smem:$0x3FA9] =	sst s1  }
0xa: {  	[smem:$0x3FAA] =	sst s2  }
0xb: {  	[smem:$0x3FAB] =	sst s3  }
0xc: {  	[smem:$0x3FAC] =	sst s4  }
0xd: {  	[smem:$0x3FAD] =	sst s5  }
0xe: {  	[smem:$0x3FAE] =	sst s6  }
0xf: {  	[smem:$0x3FAF] =	sst s7  }
0x10: {  	[smem:$0x3FB0] =	sst s8  }
0x11: {  	[smem:$0x3FB1] =	sst s9;
	s0 =	simm.s32 @!p0 $0x0  }
0x12: {  	s1 =	sld [smem:$0x3F97];
	s0 =	simm.s32 @p0 $0x1  }
0x13: {  	[smem:$0x3FB2] =	sst s0;
	s0 =	simm.s32 @!p1 $0x0  }
0x14: {  	s2 =	sld [smem:$0x3F96];
	s0 =	simm.s32 @p1 $0x1  }
0x15: {  	[smem:$0x3FB3] =	sst s0;
	s0 =	simm.s32 @!p2 $0x0  }
0x16: {  	s3 =	sld [smem:$0x3FDB];
	s0 =	simm.s32 @p2 $0x1  }
0x17: {  	s4 =	simm.s32 $0x1BF5;
	[smem:$0x3FB5] =	sst s0  }
0x18: {  	s0 =	sld [smem:$0x3F98];
	_ =	swait.ge [sflag:s4], $0x0  }
0x19: {  	s7 =	sld [smem:$0x3F99]  }
0x1a: {  	s8 =	sadd.s32 $0xFFFFE003, lr  }
0x1b: {  	s9 =	sadd.s32 $0xFFFFFEF7, lr;
	s5 =	simm.s32 $0xFFFFFFFF;
	p2 =	slt.u32 s8, $0xFFFFF086  }
0x1c: {  	p1 =	slt.u32 s9, $0xF7A;
	s5 =	simm.s32 @!p2 $0x0  }
0x1d: {  	s5 =	simm.s32 @p1 $0x1;
	p0 =	seq.s32 s7, s2  }
0x1e: {  	s7 =	smul.u32 @!p0 $0xF7A, s2;
	p2 =	seq.s32 @!p0 s5, $0x0  }
0x1f: {  	s9 =	smul.u32 $0xF7A, s1;
	s8 =	simm.s32 @!p0 $0x1BF5;
	p2 =	por !p2, p0  }
0x20: {  	[sflag:s8] =	ssyncset.s32 @!p0 $0xFFFFF086;
	s6 =	sadd.s32 @!p0 s3, s7;
	s7 =	simm.s32 @!p0 $0x108  }
0x21: {  	s3 =	sadd.s32 s3, s9;
	s6 =	sadd.s32 @!p0 $0x88, s6;
	s7 =	simm.s32 @p2 $0x1082  }
0x22: {  	[simem:s7], [sflag:s8] =	dma.local @!p0 [hbm:s6], $0xF7A  }
0x23: {  	s9 =	sor.u32 $0xD0000000, s2;
	s6 =	simm.s32 $0x108;
	_ =	swait.ge @!p0 [sflag:s8], $0x0  }
0x24: {  	s3 =	sadd.s32 $0x88, s3;
	s6 =	simm.s32 @!p1 $0x1082;
	[sflag:s4] =	ssyncset.s32 $0xFFFFF086  }
0x25: {  	[simem:s6], [sflag:s4] =	dma.local [hbm:s3], $0xF7A  }
0x26: {  	[smem:$0x3F99] =	sst s1;
	(tag) =	ssettag s2;
	_ =	strace s9  }
0x27: {  	s1 =	sld [smem:$0x3FA9]  }
0x28: {  	s2 =	sld [smem:$0x3FAA]  }
0x29: {  	s4 =	sld [smem:$0x3FAC]  }
0x2a: {  	p0 =	seq.s32 s5, $0x0;
	s5 =	sld [smem:$0x3FAD]  }
0x2b: {  	s6 =	sld [smem:$0x3FAE]  }
0x2c: {  	s7 =	sld [smem:$0x3FAF]  }
0x2d: {  	s3 =	simm.s32 $0x108;
	s8 =	sld [smem:$0x3FB0]  }
0x2e: {  	s3 =	simm.s32 @!p0 $0x1082;
	s9 =	sld [smem:$0x3FB1]  }
0x2f: {  	lr =	sadd.s32 s0, s3;
	s0 =	sld [smem:$0x3FA8]  }
0x30: {  	s3 =	sld [smem:$0x3FAB]  }
0x31: {  	[smem:$0x3FB4] =	sst s10  }
0x32: {  	s10 =	sld [smem:$0x3FB2];
	_ =	sdelay $0x3  }
0x33: {  	p0 =	seq.s32 s10, $0x1;
	s10 =	sld [smem:$0x3FB4];
	_ =	sdelay $0x3  }
0x34: {  	[smem:$0x3FB4] =	sst s10  }
0x35: {  	s10 =	sld [smem:$0x3FB3];
	_ =	sdelay $0x3  }
0x36: {  	p1 =	seq.s32 s10, $0x1;
	s10 =	sld [smem:$0x3FB4];
	_ =	sdelay $0x3  }
0x37: {  	[smem:$0x3FB4] =	sst s10  }
0x38: {  	s10 =	sld [smem:$0x3FB5]  }
0x39: {  	_ = 	snop;
	(pc) =	sbr.ind lr, $3  }
0x3a: {  	_ = 	snop  }
0x3b: {  	_ = 	snop  }
0x3c: {  	p2 =	seq.s32 s10, $0x1;
	s10 =	sld [smem:$0x3FB4]  }
0x3d: {  	_ =	shalt  }
0x3e: {  	_ =	shalt  }
0x3f: {  	_ =	shalt  }
0x40: {  	_ =	shalt  }
0x41: {  	_ =	shalt  }
0x42: {  	_ =	shalt  }
0x43: {  	_ =	shalt  }
0x44: {  	_ =	shalt  }
0x45: {  	_ =	shalt  }
0x46: {  	_ =	shalt  }
0x47: {  	_ =	shalt  }
0x48: {  	_ =	shalt  }
0x49: {  	_ =	shalt  }
0x4a: {  	_ =	shalt  }
0x4b: {  	_ =	shalt  }
0x4c: {  	_ =	shalt  }
0x4d: {  	_ =	shalt  }
0x4e: {  	_ =	shalt  }
0x4f: {  	_ =	shalt  }
0x50: {  	_ =	shalt  }
0x51: {  	_ =	shalt  }
0x52: {  	_ =	shalt  }
0x53: {  	_ =	shalt  }
0x54: {  	_ =	shalt  }
0x55: {  	_ =	shalt  }
0x56: {  	_ =	shalt  }
0x57: {  	_ =	shalt  }
0x58: {  	_ =	shalt  }
0x59: {  	_ =	shalt  }
0x5a: {  	_ =	shalt  }
0x5b: {  	_ =	shalt  }
0x5c: {  	_ =	shalt  }
0x5d: {  	_ =	shalt  }
0x5e: {  	_ =	shalt  }
0x5f: {  	_ =	shalt  }
0x60: {  	_ =	shalt  }
0x61: {  	_ =	shalt  }
0x62: {  	_ =	shalt  }
0x63: {  	_ =	shalt  }
0x64: {  	_ =	shalt  }
0x65: {  	_ =	shalt  }
0x66: {  	_ =	shalt  }
0x67: {  	_ =	shalt  }
0x68: {  	_ =	shalt  }
0x69: {  	_ =	shalt  }
0x6a: {  	_ =	shalt  }
0x6b: {  	_ =	shalt  }
0x6c: {  	_ =	shalt  }
0x6d: {  	_ =	shalt  }
0x6e: {  	_ =	shalt  }
0x6f: {  	_ =	shalt  }
0x70: {  	_ =	shalt  }
0x71: {  	_ =	shalt  }
0x72: {  	_ =	shalt  }
0x73: {  	_ =	shalt  }
0x74: {  	_ =	shalt  }
0x75: {  	_ =	shalt  }
0x76: {  	_ =	shalt  }
0x77: {  	_ =	shalt  }
0x78: {  	_ =	shalt  }
0x79: {  	_ =	shalt  }
0x7a: {  	_ =	shalt  }
0x7b: {  	_ =	shalt  }
0x7c: {  	_ =	shalt  }
0x7d: {  	_ =	shalt  }
0x7e: {  	_ =	shalt  }
0x7f: {  	_ =	shalt  }
0x80: {  	_ =	shalt  }
0x81: {  	_ =	shalt  }
0x82: {  	_ =	shalt  }
0x83: {  	_ =	shalt  }
0x84: {  	_ =	shalt  }
0x85: {  	_ =	shalt  }
0x86: {  	_ =	shalt  }
0x87: {  	_ =	shalt  }
.Lfunc_end0:
.L_simem_size_0:
called_computation_lowered:
.L_overlay_start_0:
0x88: {  	s2 =	sld [smem:$0x3FD9]  }
0x89: {  	s3 =	sld [smem:$0x3FFE];
	_ =	sdelay $0x1  }
0x8a: {  	s1 =	srdreg.scid  }
0x8b: {  	s0 =	sand.u32 $0x1, s1  }
0x8c: {  	s16 =	sshll.u32 s0, $0xA;
	s2 =	sadd.s32 s3, s2  }
0x8d: {  	s2 =	sadd.s32 s2, s16  }
0x8e: {  	[smem:$0x3FC0] =	sst s2  }
0x8f: {  	_ = 	snop  }
0x90: {  	(tm) =	ssettm $0x1  }
0x91: {  	s17 =	sld [smem:$0x3FFB];
	_ =	sdelay $0x3  }
0x92: {  	_ =	strace s17  }
0x93: {  	s2 =	sld [smem:$0x3FFC];
	_ =	sdelay $0x3  }
0x94: {  	_ =	strace s2  }
0x95: {  	s2 =	sld [smem:$0x3FFD];
	_ =	sdelay $0x3  }
0x96: {  	_ =	strace s2  }
0x97: {  	_ =	strace $0x8FFFFFFF  }
0x98: {  	s18 =	sld [smem:$0x3FDB];
	_ =	sdelay $0x1  }
0x99: {  	s19 =	simm.s32 $_scs_section_size  }
0x9a: {  	s4 =	simm.s32 $_size__tile_overlayer_lowered;
	s5 =	simm.s32 $_tile_overlayer_lowered  }
0x9b: {  	s22 =	simm.s32 $0x1BFF;
	s21 =	sshll.u32 s5, $0x1;
	s2 =	sadd.s32 s19, s18  }
0x9c: {  	s6 =	simm.s32 $0x0;
	s20 =	sshll.u32 s4, $0x1;
	s4 =	sadd.s32 s21, s2  }
0x9d: {  	[timem:s6], [sflag:s22] =	dma.local [hbm:s4], s20  }
0x9e: {  	_ =	swait.ge [sflag:s22], s20  }
0x9f: {  	s3 =	ssub.s32 $0x0, s20;
	[sflag:s22] =	ssyncset.done $0x0  }
0xa0: {  	[sflag:s22] =	ssyncadd.s32 s3;
	_ =	sdelay $0x1  }
0xa1: {  	s23 =	simm.s32 $0x1B8B  }
0xa2: {  	_ =	swait.ge [sflag:s23], $0x1  }
0xa3: {  	[sflag:s23] =	ssyncset.done $0x0  }
0xa4: {  	s25 =	simm.s32 $0x1B8E;
	s24 =	sld [smem:$0x3FFE];
	[sflag:s23] =	ssyncadd.s32 $0xFFFFFFFF  }
0xa5: {  	s26 =	simm.s32 $execute0_lowered;
	[smem:$0x3FD2] =	sst s25  }
0xa6: {  	s4 =	sshll.u32 s26, $0x1;
	_ =	strace $0x80000046;
	[dreg:$0x1] =	wrdreg $0xFFFFFFFF  }
0xa7: {  	s28 =	simm.s32 $_size_execute0_lowered;
	s2 =	sadd.s32 s2, s4;
	[dreg:$0x0] =	wrdreg $0x0  }
0xa8: {  	s4 =	sshll.u32 s28, $0x1;
	[dreg:$0x2] =	wrdreg s2  }
0xa9: {  	[dreg:$0x3] =	wrdreg s4  }
0xaa: {  	[dreg:$0x4] =	wrdreg $0xC0  }
0xab: {  	_ =	task [dreg:s6], $0x5FFFF  }
0xac: {  	[dreg:$0x1] =	wrdreg $0xFFFFFFFF  }
0xad: {  	[dreg:$0x0] =	wrdreg $0x60  }
0xae: {  	[dreg:$0x2] =	wrdreg s24  }
0xaf: {  	[dreg:$0x3] =	wrdreg $0x9  }
0xb0: {  	_ =	task.clear_ibuf [dreg:s6], $0x4FFFF;
	_ =	strace $0x90000046  }
0xb1: {  	s29 =	simm.s32 $0x9;
	_ =	strace $0x80000048  }
0xb2: {  	_ =	swait.ge [sflag:s29], $0x1  }
0xb3: {  	[sflag:s29] =	ssyncadd.s32 $0xFFFFFFFF  }
0xb4: {  	_ =	strace $0x90000048  }
0xb5: {  	_ =	sfence  }
0xb6: {  	s30 =	sld [smem:$0x0];
	_ =	sdelay $0x2  }
0xb7: {  	s31 =	sshll.u32 s1, $0xD;
	s1 =	sshrl.u32 s1, $0x2  }
0xb8: {  	s3 =	sand.u32 $0x4000, s31;
	s1 =	sadd.s32 s1, s30  }
0xb9: {  	s0 =	sor.u32 s3, s0;
	s1 =	sshll.u32 s1, $0x11  }
0xba: {  	s0 =	sor.u32 s1, s0  }
0xbb: {  	s0 =	sadd.s32 $0x8F2B, s0  }
0xbc: {  	[sflag:s0] =	ssyncadd.remote.s32 $0x1  }
0xbd: {  	_ =	sfence.sel $0xFFFF  }
0xbe: {  	[dreg:$0x0] =	wrdreg $0xFFFFFFFF;
	(pc) =	sbr.abs _section_cstart, $3  }
0xbf: {  	[dreg:$0x1] =	wrdreg $0xFFFFFFFF  }
0xc0: {  	_ =	task.clear_ibuf [dreg:s6], $0x2FFFF;
	_ =	strace $0x9FFFFFFF  }
0xc1: {  	(tm) =	ssettm $0x7FFFFFFF  }
tec
execute0_lowered:
.L_overlay_start_1:
0x0: {  	(tag) =	ssettag $0x1  }
0x1: {  	s1 =	srdreg.scid  }
0x2: {  	s0 =	stileid.u32;
	s19 =	sand.u32 $0x1, s1  }
0x3: {  	s30 =	sshll.u32 s0, $0xA;
	s2 =	sshll.u32 s19, $0x9  }
0x4: {  	s12 =	sor.u32 s2, s30  }
0x5: {  	s14 =	rddreg [dreg:$0x0];
	s2 =	simm.s32 $0x0;
	s3 =	sshrl.u32 s12, $0x3  }
0x6: {  	s4 =	simm.s32 $0x5;
	[smem:$0x7FF] =	sst s2;
	s5 =	sadd.s32 s3, s14  }
0x7: {  	s1 =	rddreg [dreg:$0x1];
	_ =	strace $0x80000047;
	s3 =	sadd.s32 $0x2600, s5  }
0x8: {  	[tilespmem:s2], [sflag:$0x5] =	stream.linear.gather [hbm4b:s3+s2], $0x200, $0x38;
	[tilespmem:$0x10400] =	vst v63  }
0x9: {  	_ =	swait.ge [sflag:s4], $0x200  }
0xa: {  	[sflag:s4] =	ssyncset.done $0x0  }
0xb: {  	s6 =	simm.s32 $0x200;
	s5 =	sadd.s32 $0x1E00, s5;
	[sflag:s4] =	ssyncadd.s32 $0xFFFFFE00  }
0xc: {  	[tilespmem:s6], [sflag:$0x5] =	stream.linear.gather [hbm4b:s5+s2], $0x200, $0x38;
	[tilespmem:$0x10400] =	vst v63  }
0xd: {  	_ =	swait.ge [sflag:s4], $0x200  }
0xe: {  	s8 =	simm.s32 $0x100;
	[sflag:s4] =	ssyncset.done $0x0  }
0xf: {  	s9 =	simm.s32 $0x400;
	s7 =	sadd.s32 $0x3600, s14;
	[sflag:s4] =	ssyncadd.s32 $0xFFFFFE00  }
0x10: {  	[tilespmem:s9], [sflag:$0x1] =	stream.indirect.gather [hbm4b:s7+s8], $0x80, s2, s8, $0xb8;
	[tilespmem:$0x10400] =	vst v63  }
0x11: {  	s10 =	simm.s32 $0x8400;
	s11 =	simm.s32 $0x1  }
0x12: {  	[tilespmem:s10], [sflag:$0x2] =	stream.indirect.gather [hbm4b:s7+s8], $0x80, s6, s8, $0xb8;
	[tilespmem:$0x10400] =	vst v63  }
0x13: {  	_ =	swait.ge [sflag:s11], $0x8000  }
0x14: {  	s18 =	sadd.s32 $0x7C3600, s14;
	s20 =	sshll.u32 s12, $0x4;
	[sflag:s11] =	ssyncset.done $0x0  }
0x15: {  	s13 =	simm.s32 $0x2;
	s12 =	sadd.s32 s18, s20;
	[sflag:s11] =	ssyncadd.s32 $0xFFFF8000  }
0x16: {  	[hbm4b:s12+s2] =	stream.linear.scatter [tilespmem:s9], [sflag:$0x3], $0x8000, $0x38;
	[tilespmem:$0x10400] =	vst v63  }
0x17: {  	_ =	swait.ge [sflag:s13], $0x8000  }
0x18: {  	s21 =	sadd.s32 $0x803600, s14;
	[sflag:s13] =	ssyncset.done $0x0  }
0x19: {  	s15 =	simm.s32 $0x3;
	s14 =	sadd.s32 s21, s20;
	[sflag:s13] =	ssyncadd.s32 $0xFFFF8000  }
0x1a: {  	[hbm4b:s14+s2] =	stream.linear.scatter [tilespmem:s10], [sflag:$0x4], $0x8000, $0x38;
	[tilespmem:$0x10400] =	vst v63  }
0x1b: {  	_ =	swait.ge [sflag:s15], $0x8000  }
0x1c: {  	[sflag:s15] =	ssyncset.done $0x0  }
0x1d: {  	s16 =	simm.s32 $0x4;
	[sflag:s15] =	ssyncadd.s32 $0xFFFF8000  }
0x1e: {  	_ =	swait.ge [sflag:s16], $0x8000  }
0x1f: {  	[sflag:s16] =	ssyncset.done $0x0  }
0x20: {  	[sflag:s16] =	ssyncadd.s32 $0xFFFF8000  }
0x21: {  	[tilespmem:s9], [sflag:$0x1] =	stream.indirect.gather [hbm4b:s7+s8], $0x80, s8, s8, $0xb8;
	[tilespmem:$0x10400] =	vst v63  }
0x22: {  	s17 =	simm.s32 $0x300  }
0x23: {  	[tilespmem:s10], [sflag:$0x2] =	stream.indirect.gather [hbm4b:s7+s8], $0x80, s17, s8, $0xb8;
	[tilespmem:$0x10400] =	vst v63  }
0x24: {  	_ =	swait.ge [sflag:s11], $0x8000  }
0x25: {  	s22 =	ssub.s32 $0x2, s19;
	s20 =	sor.u32 $0x1000, s20;
	[sflag:s11] =	ssyncset.done $0x0  }
0x26: {  	s31 =	sshrl.u32 s22, $0x1;
	s18 =	sadd.s32 s18, s20;
	[sflag:s11] =	ssyncadd.s32 $0xFFFF8000  }
0x27: {  	[hbm4b:s18+s2] =	stream.linear.scatter [tilespmem:s9], [sflag:$0x3], $0x8000, $0x38;
	[tilespmem:$0x10400] =	vst v63  }
0x28: {  	s19 =	sadd.s32 s21, s20;
	s20 =	ssub.s32 s22, s31;
	_ =	swait.ge [sflag:s13], $0x8000  }
0x29: {  	s20 =	smax.u32 s20, $0x1;
	[sflag:s13] =	ssyncset.done $0x0  }
0x2a: {  	p0 =	sne.s32 s20, $0x1;
	[sflag:s13] =	ssyncadd.s32 $0xFFFF8000  }
0x2b: {  	[hbm4b:s19+s2] =	stream.linear.scatter [tilespmem:s10], [sflag:$0x4], $0x8000, $0x38;
	[tilespmem:$0x10400] =	vst v63  }
.Ltmp0:
0x2c: {  	_ =	swait.ge [sflag:s15], $0x8000;
	(pc) =	sbr.rel @!p0 .LBB2_2-.Ltmp0, $4  }
0x2d: {  	[sflag:s15] =	ssyncset.done $0x0  }
0x2e: {  	[sflag:s15] =	ssyncadd.s32 $0xFFFF8000  }
0x2f: {  	_ =	swait.ge [sflag:s16], $0x8000  }
0x30: {  	s20 =	sadd.s32 $0xFFFFFFFF, s20;
	[sflag:s16] =	ssyncset.done $0x0  }
.LBB2_1:
0x31: {  	p0 =	sne.s32 s20, $0x1;
	s20 =	sadd.s32 $0xFFFFFFFF, s20;
	[sflag:s16] =	ssyncadd.s32 $0xFFFF8000  }
0x32: {  	[tilespmem:s2], [sflag:$0x5] =	stream.linear.gather [hbm4b:s3+s2], $0x200, $0x38;
	[tilespmem:$0x10400] =	vst v63  }
0x33: {  	_ =	swait.ge [sflag:s4], $0x200  }
0x34: {  	[sflag:s4] =	ssyncset.done $0x0  }
0x35: {  	[sflag:s4] =	ssyncadd.s32 $0xFFFFFE00  }
0x36: {  	[tilespmem:s6], [sflag:$0x5] =	stream.linear.gather [hbm4b:s5+s2], $0x200, $0x38;
	[tilespmem:$0x10400] =	vst v63  }
0x37: {  	_ =	swait.ge [sflag:s4], $0x200  }
0x38: {  	[sflag:s4] =	ssyncset.done $0x0  }
0x39: {  	[sflag:s4] =	ssyncadd.s32 $0xFFFFFE00  }
0x3a: {  	[tilespmem:s9], [sflag:$0x1] =	stream.indirect.gather [hbm4b:s7+s8], $0x80, s2, s8, $0xb8;
	[tilespmem:$0x10400] =	vst v63  }
0x3b: {  	_ = 	snop  }
0x3c: {  	[tilespmem:s10], [sflag:$0x2] =	stream.indirect.gather [hbm4b:s7+s8], $0x80, s6, s8, $0xb8;
	[tilespmem:$0x10400] =	vst v63  }
0x3d: {  	_ =	swait.ge [sflag:s11], $0x8000  }
0x3e: {  	[sflag:s11] =	ssyncset.done $0x0  }
0x3f: {  	[sflag:s11] =	ssyncadd.s32 $0xFFFF8000  }
0x40: {  	[hbm4b:s12+s2] =	stream.linear.scatter [tilespmem:s9], [sflag:$0x3], $0x8000, $0x38;
	[tilespmem:$0x10400] =	vst v63  }
0x41: {  	_ =	swait.ge [sflag:s13], $0x8000  }
0x42: {  	[sflag:s13] =	ssyncset.done $0x0  }
0x43: {  	[sflag:s13] =	ssyncadd.s32 $0xFFFF8000  }
0x44: {  	[hbm4b:s14+s2] =	stream.linear.scatter [tilespmem:s10], [sflag:$0x4], $0x8000, $0x38;
	[tilespmem:$0x10400] =	vst v63  }
0x45: {  	_ =	swait.ge [sflag:s15], $0x8000  }
0x46: {  	[sflag:s15] =	ssyncset.done $0x0  }
0x47: {  	[sflag:s15] =	ssyncadd.s32 $0xFFFF8000  }
0x48: {  	_ =	swait.ge [sflag:s16], $0x8000  }
0x49: {  	[sflag:s16] =	ssyncset.done $0x0  }
0x4a: {  	[sflag:s16] =	ssyncadd.s32 $0xFFFF8000  }
0x4b: {  	[tilespmem:s9], [sflag:$0x1] =	stream.indirect.gather [hbm4b:s7+s8], $0x80, s8, s8, $0xb8;
	[tilespmem:$0x10400] =	vst v63  }
0x4c: {  	_ = 	snop  }
0x4d: {  	[tilespmem:s10], [sflag:$0x2] =	stream.indirect.gather [hbm4b:s7+s8], $0x80, s17, s8, $0xb8;
	[tilespmem:$0x10400] =	vst v63  }
0x4e: {  	_ =	swait.ge [sflag:s11], $0x8000  }
0x4f: {  	[sflag:s11] =	ssyncset.done $0x0  }
0x50: {  	[sflag:s11] =	ssyncadd.s32 $0xFFFF8000  }
0x51: {  	[hbm4b:s18+s2] =	stream.linear.scatter [tilespmem:s9], [sflag:$0x3], $0x8000, $0x38;
	[tilespmem:$0x10400] =	vst v63  }
0x52: {  	_ =	swait.ge [sflag:s13], $0x8000  }
0x53: {  	[sflag:s13] =	ssyncset.done $0x0  }
0x54: {  	[sflag:s13] =	ssyncadd.s32 $0xFFFF8000  }
0x55: {  	[hbm4b:s19+s2] =	stream.linear.scatter [tilespmem:s10], [sflag:$0x4], $0x8000, $0x38;
	[tilespmem:$0x10400] =	vst v63  }
.Ltmp1:
0x56: {  	_ =	swait.ge [sflag:s15], $0x8000;
	(pc) =	sbr.rel @p0 .LBB2_1-.Ltmp1, $4  }
0x57: {  	[sflag:s15] =	ssyncset.done $0x0  }
0x58: {  	[sflag:s15] =	ssyncadd.s32 $0xFFFF8000  }
0x59: {  	_ =	swait.ge [sflag:s16], $0x8000  }
0x5a: {  	[sflag:s16] =	ssyncset.done $0x0  }
.LBB2_2:
0x5b: {  	[sflag:s16] =	ssyncadd.s32 $0xFFFF8000  }
0x5c: {  	_ =	sfence.sel $0x180000  }
0x5d: {  	[bflag:$0x0] =	sbarrier.arrive $0xFFFF  }
0x5e: {  	p0 =	sne.s32 s0, $0x0;
	_ =	strace $0x90000047  }
0x5f: {  	s0 =	sadd.s32 @!p0 $0x100000, s1;
	[bflag:$0x2] =	sbarrier.arrive $0xFFFF  }
0x60: {  	[sflag:s0] =	ssyncadd.tile.s32 @!p0 $0x1;
	_ =	shalt  }
.Lfunc_end2:
_tile_overlayer_lowered:
.L_overlay_start_2:
0x61: {  	(tag) =	ssettag $0x2  }
0x62: {  	s0 =	rddreg [dreg:$0x0];
	s2 =	stileid.u32  }
0x63: {  	s1 =	rddreg [dreg:$0x1];
	p0 =	sne.s32 s2, $0x0  }
0x64: {  	s3 =	rddreg [dreg:$0x2];
	[bflag:$0x3] =	sbarrier.arrive $0xFFFF;
	s2 =	simm.s32 @!p0 $0x1C05  }
0x65: {  	[timem:s3], [sflag:s2] =	dma.local @!p0 [hbm:s0], s1  }
0x66: {  	s0 =	simm.s32 @!p0 $0x5  }
0x67: {  	_ =	swait.ge @!p0 [sflag:s0], s1  }
0x68: {  	s1 =	ssub.s32 @!p0 $0x0, s1;
	[sflag:s0] =	ssyncset.done @!p0 $0x0  }
0x69: {  	[sflag:s0] =	ssyncadd.s32 @!p0 s1  }
0x6a: {  	[bflag:$0x3] =	sbarrier.arrive $0xFFFF  }
0x6b: {  	_ =	shalt  }

</sc_bundles>
